<compile_context>
chip_gen: v7x
topology: tpu7x:2x2x1
jax: 0.10.2.dev20260603
libtpu: 0.0.44.dev20260713+nightly
codegen_flags: <defaults>
</compile_context>

<pallas_src>
import jax
import jax.numpy as jnp
from jax import lax
from jax.experimental import pallas as pl
from jax.experimental.pallas import tpu as pltpu
from jax.experimental.pallas import tpu_sc as plsc

_D = 2048
_B = 4
_SP = 8193
_SPAD = 8200
_WPB = 8
_ROWS_W = 1024
_C = 16
_NCH = _ROWS_W // _C
_NBUF = 2
_NC = 2
_IDSTAGE = 1032


def _sc_body(ids_hbm, zeros_hbm, out_hbm, ids_v, buf0, buf1, sem0, sem1):
    cid = lax.axis_index("c")
    sid = lax.axis_index("s")
    wid = sid * _NC + cid
    b = wid // _WPB
    sub = wid % _WPB
    row0 = sub * _ROWS_W

    pltpu.sync_copy(ids_hbm.at[pl.ds(b * _SPAD + row0, _IDSTAGE)],
                    ids_v.at[pl.ds(0, _IDSTAGE)])
    pltpu.sync_copy(zeros_hbm, buf0)
    pltpu.sync_copy(zeros_hbm, buf1)

    iota = lax.iota(jnp.int32, 16)
    ones_v = jnp.full((16,), 1.0, jnp.float32)
    zeros_v = jnp.zeros((16,), jnp.float32)
    bufs = (buf0, buf1)
    sems = (sem0, sem1)

    def _dst(j):
        return out_hbm.at[b, pl.ds(row0 + j * _C, _C), :]

    @pl.loop(0, _NCH, step=_NBUF)
    def _(g):
        for s in range(_NBUF):
            j = g + s

            @pl.when(j >= _NBUF)
            def _():
                pltpu.make_async_copy(bufs[s], _dst(j - _NBUF), sems[s]).wait()
                ids_old = ids_v[pl.ds((j - _NBUF) * _C, _C)]
                plsc.store_scatter(bufs[s], [iota, ids_old], zeros_v)

            ids_j = ids_v[pl.ds(j * _C, _C)]
            plsc.store_scatter(bufs[s], [iota, ids_j], ones_v)
            pltpu.async_copy(bufs[s], _dst(j), sems[s])

    for s in range(_NBUF):
        pltpu.make_async_copy(bufs[s], _dst(_NCH - _NBUF + s), sems[s]).wait()

    @pl.when(sub == _WPB - 1)
    def _():
        ids_old = ids_v[pl.ds((_NCH - _NBUF) * _C, _C)]
        plsc.store_scatter(buf0, [iota, ids_old], zeros_v)
        ids_tail = ids_v[pl.ds(_ROWS_W, _C)]
        lane0 = iota == 0
        plsc.store_scatter(buf0, [iota * 0, ids_tail], ones_v, mask=lane0)
        pltpu.async_copy(buf0.at[pl.ds(0, 1), :],
                         out_hbm.at[b, pl.ds(_WPB * _ROWS_W, 1), :], sem0)
        pltpu.make_async_copy(buf0.at[pl.ds(0, 1), :],
                              out_hbm.at[b, pl.ds(_WPB * _ROWS_W, 1), :],
                              sem0).wait()


_MESH = plsc.VectorSubcoreMesh(core_axis_name="c", subcore_axis_name="s")

_SC_CALL = pl.kernel(
    _sc_body,
    out_type=jax.ShapeDtypeStruct((_B, _SP, _D), jnp.float32),
    mesh=_MESH,
    scratch_types=[
        pltpu.VMEM((1040,), jnp.int32),
        pltpu.VMEM((_C, _D), jnp.float32),
        pltpu.VMEM((_C, _D), jnp.float32),
        pltpu.SemaphoreType.DMA,
        pltpu.SemaphoreType.DMA,
    ],
    compiler_params=pltpu.CompilerParams(needs_layout_passes=False, use_tc_tiling_on_sc=True),
)


def kernel(input_ids):
    b, s = input_ids.shape
    ids = input_ids.astype(jnp.int32)
    padded = jnp.concatenate([jnp.zeros((b, 1), jnp.int32), ids], axis=1)
    ids2d = jnp.pad(padded, ((0, 0), (0, _SPAD - _SP))).reshape(-1)
    zeros = jnp.zeros((_C, _D), jnp.float32)
    return _SC_CALL(ids2d, zeros)

# --- scband reference (transcript-rebuilt; emitter-appended) ---
"""Pipeline reference for scband-text-input-64398739636662 (READ-ONLY COPY).

The authoritative reference and input builder live on the scoring server;
editing this copy changes nothing except your own understanding.
"""

import jax, jax.numpy as jnp
import numpy as np

D_MODEL = 2048
BOS = 0

def setup_inputs(seed: int = 0) -> dict:
    key = jax.random.key(seed)
    input_ids = jax.random.randint(key, (4, 8192), 0, D_MODEL, dtype=jnp.int64)
    return {"input_ids": input_ids}

def reference(input_ids):
    # pad(input_ids, (1, 0), 'constant', bos): prepend bos along last dim
    padded = jnp.pad(input_ids, ((0, 0), (1, 0)), mode='constant', constant_values=BOS)
    # one_hot(..., d_model).float()
    out = jax.nn.one_hot(padded, D_MODEL, dtype=jnp.float32)
    return out

if __name__ == "__main__":
    import jax
    _d = setup_inputs()
    print(jax.jit(kernel)(*tuple(_d.values())))

</pallas_src>

<mosaic_0001>
#map = affine_map<(d0, d1) -> (0)>
#map1 = affine_map<(d0, d1) -> (0, 0)>
#map2 = affine_map<(d0, d1) -> (0, 0, 0)>
module attributes {stable_mosaic.version = 14 : i64} {
  func.func @_sc_body(%arg0: i32, %arg1: i32, %arg2: memref<32800xi32, #tpu.memory_space<hbm>>, %arg3: memref<16x2048xf32, #tpu.memory_space<hbm>>, %arg4: memref<4x8193x2048xf32, #tpu.memory_space<hbm>>, %arg5: memref<1040xi32, #tpu.memory_space<vmem>>, %arg6: memref<16x2048xf32, #tpu.memory_space<vmem>>, %arg7: memref<16x2048xf32, #tpu.memory_space<vmem>>, %arg8: memref<!tpu.dma_semaphore, #tpu.memory_space<semaphore_mem>>, %arg9: memref<!tpu.dma_semaphore, #tpu.memory_space<semaphore_mem>>) attributes {dimension_semantics = [#tpu.dimension_semantics<core_parallel>, #tpu.dimension_semantics<subcore_parallel>], iteration_bounds = array<i64: 2, 16>, scalar_prefetch = 0 : i64, scratch_operands = 5 : i64, tpu.core_type = #tpu.core_type<sc_vector_subcore>, window_params = [{transform_indices = #map}, {transform_indices = #map1}, {transform_indices = #map2}]} {
    %mul3A = arith.constant 2 : i32
    %mul3A_0 = arith.muli %arg1, %mul3A : i32
    %add3A = arith.addi %mul3A_0, %arg0 : i32
    %jit3A = arith.constant 8 : i32
    %div3A = arith.divsi %add3A, %jit3A : i32
    %sign3A = arith.constant 0 : i32
    %sign3A_1 = arith.cmpi sgt, %add3A, %sign3A : i32
    %sign3A_2 = arith.extui %sign3A_1 : i1 to i32
    %sign3A_3 = arith.constant 0 : i32
    %sign3A_4 = arith.cmpi slt, %add3A, %sign3A_3 : i32
    %sign3A_5 = arith.extui %sign3A_4 : i1 to i32
    %sign3A_6 = arith.subi %sign3A_2, %sign3A_5 : i32
    %sign3A_7 = arith.constant 0 : i32
    %sign3A_8 = arith.cmpi sgt, %jit3A, %sign3A_7 : i32
    %sign3A_9 = arith.extui %sign3A_8 : i1 to i32
    %sign3A_10 = arith.constant 0 : i32
    %sign3A_11 = arith.cmpi slt, %jit3A, %sign3A_10 : i32
    %sign3A_12 = arith.extui %sign3A_11 : i1 to i32
    %sign3A_13 = arith.subi %sign3A_9, %sign3A_12 : i32
    %ne3A = arith.cmpi ne, %sign3A_6, %sign3A_13 : i32
    %rem3A = arith.remsi %add3A, %jit3A : i32
    %ne3A_14 = arith.constant 0 : i32
    %ne3A_15 = arith.cmpi ne, %rem3A, %ne3A_14 : i32
    %and3A = arith.andi %ne3A, %ne3A_15 : i1
    %sub3A = arith.constant 1 : i32
    %sub3A_16 = arith.subi %div3A, %sub3A : i32
    %select_n3A = arith.select %and3A, %sub3A_16, %div3A : i32
    %jit3A_17 = arith.constant 8 : i32
    %eq3A = arith.constant 0 : i32
    %eq3A_18 = arith.cmpi eq, %jit3A_17, %eq3A : i32
    %jit3A_19 = arith.constant 1 : i32
    %select_n3A_20 = arith.select %eq3A_18, %jit3A_19, %jit3A_17 : i32
    %rem3A_21 = arith.remsi %add3A, %select_n3A_20 : i32
    %ne3A_22 = arith.constant 0 : i32
    %ne3A_23 = arith.cmpi ne, %rem3A_21, %ne3A_22 : i32
    %lt3A = arith.constant 0 : i32
    %lt3A_24 = arith.cmpi slt, %rem3A_21, %lt3A : i32
    %lt3A_25 = arith.constant 0 : i32
    %lt3A_26 = arith.cmpi slt, %select_n3A_20, %lt3A_25 : i32
    %ne3A_27 = arith.xori %lt3A_24, %lt3A_26 : i1
    %and3A_28 = arith.andi %ne3A_27, %ne3A_23 : i1
    %add3A_29 = arith.addi %rem3A_21, %select_n3A_20 : i32
    %select_n3A_30 = arith.select %and3A_28, %add3A_29, %rem3A_21 : i32
    %mul3A_31 = arith.constant 1024 : i32
    %mul3A_32 = arith.muli %select_n3A_30, %mul3A_31 : i32
    %mul3A_33 = arith.constant 8200 : i32
    %mul3A_34 = arith.muli %select_n3A, %mul3A_33 : i32
    %add3A_35 = arith.addi %mul3A_34, %mul3A_32 : i32
    "tpu.region"() ({
      %run_scoped3A = tpu.sem_alloc : memref<!tpu.dma_semaphore, #tpu.memory_space<semaphore_mem>>
      %dma_start3A = arith.constant 0 : i32
      %dma_start3A_61 = tpu.memref_slice %arg5[%dma_start3A] : memref<1040xi32, #tpu.memory_space<vmem>> -> memref<1032xi32, #tpu.memory_space<vmem>>
      %dma_start3A_62 = tpu.memref_slice %arg2[%add3A_35] : memref<32800xi32, #tpu.memory_space<hbm>> -> memref<1032xi32, #tpu.memory_space<hbm>>
      %dma_start3A_63 = arith.constant 0 : i32
      %dma_start3A_64 = tpu.memref_slice %arg5[%dma_start3A_63] : memref<1040xi32, #tpu.memory_space<vmem>> -> memref<1032xi32, #tpu.memory_space<vmem>>
      %dma_start3A_65 = tpu.memref_slice %arg2[%add3A_35] : memref<32800xi32, #tpu.memory_space<hbm>> -> memref<1032xi32, #tpu.memory_space<hbm>>
      tpu.enqueue_dma source(%dma_start3A_65 : memref<1032xi32, #tpu.memory_space<hbm>>) target(%dma_start3A_64 : memref<1032xi32, #tpu.memory_space<vmem>>) target_semaphore(%run_scoped3A : memref<!tpu.dma_semaphore, #tpu.memory_space<semaphore_mem>>)
      %dma_wait3A_66 = arith.constant 0 : i32
      %dma_wait3A_67 = tpu.memref_slice %arg5[%dma_wait3A_66] : memref<1040xi32, #tpu.memory_space<vmem>> -> memref<1032xi32, #tpu.memory_space<vmem>>
      %dma_wait3A_68 = tpu.memref_slice %arg2[%add3A_35] : memref<32800xi32, #tpu.memory_space<hbm>> -> memref<1032xi32, #tpu.memory_space<hbm>>
      %dma_wait3A_69 = arith.constant 0 : i32
      %dma_wait3A_70 = tpu.memref_slice %arg5[%dma_wait3A_69] : memref<1040xi32, #tpu.memory_space<vmem>> -> memref<1032xi32, #tpu.memory_space<vmem>>
      %dma_wait3A_71 = tpu.memref_slice %arg2[%add3A_35] : memref<32800xi32, #tpu.memory_space<hbm>> -> memref<1032xi32, #tpu.memory_space<hbm>>
      tpu.wait_dma2 semaphore(%run_scoped3A : memref<!tpu.dma_semaphore, #tpu.memory_space<semaphore_mem>>) src(%dma_wait3A_71 : memref<1032xi32, #tpu.memory_space<hbm>>) dst(%dma_wait3A_70 : memref<1032xi32, #tpu.memory_space<vmem>>)
      tpu.yield
    }) : () -> ()
    "tpu.region"() ({
      %run_scoped3A = tpu.sem_alloc : memref<!tpu.dma_semaphore, #tpu.memory_space<semaphore_mem>>
      tpu.enqueue_dma source(%arg3 : memref<16x2048xf32, #tpu.memory_space<hbm>>) target(%arg6 : memref<16x2048xf32, #tpu.memory_space<vmem>>) target_semaphore(%run_scoped3A : memref<!tpu.dma_semaphore, #tpu.memory_space<semaphore_mem>>)
      tpu.wait_dma2 semaphore(%run_scoped3A : memref<!tpu.dma_semaphore, #tpu.memory_space<semaphore_mem>>) src(%arg3 : memref<16x2048xf32, #tpu.memory_space<hbm>>) dst(%arg6 : memref<16x2048xf32, #tpu.memory_space<vmem>>)
      tpu.yield
    }) : () -> ()
    "tpu.region"() ({
      %run_scoped3A = tpu.sem_alloc : memref<!tpu.dma_semaphore, #tpu.memory_space<semaphore_mem>>
      tpu.enqueue_dma source(%arg3 : memref<16x2048xf32, #tpu.memory_space<hbm>>) target(%arg7 : memref<16x2048xf32, #tpu.memory_space<vmem>>) target_semaphore(%run_scoped3A : memref<!tpu.dma_semaphore, #tpu.memory_space<semaphore_mem>>)
      tpu.wait_dma2 semaphore(%run_scoped3A : memref<!tpu.dma_semaphore, #tpu.memory_space<semaphore_mem>>) src(%arg3 : memref<16x2048xf32, #tpu.memory_space<hbm>>) dst(%arg7 : memref<16x2048xf32, #tpu.memory_space<vmem>>)
      tpu.yield
    }) : () -> ()
    %iota3A = tpu.iota {dimensions = array<i32: 0>} : vector<16xi32>
    %broadcast_in_dim3A = arith.constant 1.000000e+00 : f32
    %broadcast_in_dim3A_36 = vector.broadcast %broadcast_in_dim3A : f32 to vector<16xf32>
    %broadcast_in_dim3A_37 = arith.constant 0.000000e+00 : f32
    %broadcast_in_dim3A_38 = vector.broadcast %broadcast_in_dim3A_37 : f32 to vector<16xf32>
    %scan3A = arith.constant 0 : i32
    %scan3A_39 = arith.constant 32 : i32
    %scan3A_40 = arith.addi %scan3A, %scan3A_39 : i32
    %scan3A_41 = arith.constant 1 : i32
    scf.for %scan3A_61 = %scan3A to %scan3A_40 step %scan3A_41  : i32 {
      %mul3A_62 = arith.constant 2 : i32
      %mul3A_63 = arith.muli %scan3A_61, %mul3A_62 : i32
      %add3A_64 = arith.constant 0 : i32
      %add3A_65 = arith.addi %add3A_64, %mul3A_63 : i32
      %add3A_66 = arith.constant 0 : i32
      %add3A_67 = arith.addi %add3A_65, %add3A_66 : i32
      %ge3A = arith.constant 2 : i32
      %ge3A_68 = arith.cmpi sge, %add3A_67, %ge3A : i32
      %convert_element_type3A_69 = arith.extui %ge3A_68 : i1 to i32
      %cond3A_70 = arith.constant 0 : i32
      %cond3A_71 = arith.cmpi ne, %convert_element_type3A_69, %cond3A_70 : i32
      scf.if %cond3A_71 {
        %sub3A_103 = arith.constant 2 : i32
        %sub3A_104 = arith.subi %add3A_67, %sub3A_103 : i32
        %mul3A_105 = arith.constant 16 : i32
        %mul3A_106 = arith.muli %sub3A_104, %mul3A_105 : i32
        %add3A_107 = arith.addi %mul3A_32, %mul3A_106 : i32
        %dma_wait3A_108 = arith.constant 0 : i32
        %dma_wait3A_109 = tpu.memref_slice %arg4[%select_n3A, %add3A_107, %dma_wait3A_108] : memref<4x8193x2048xf32, #tpu.memory_space<hbm>> -> memref<1x16x2048xf32, #tpu.memory_space<hbm>>
        %dma_wait3A_110 = tpu.memref_squeeze %dma_wait3A_109 : memref<1x16x2048xf32, #tpu.memory_space<hbm>> -> memref<16x2048xf32, #tpu.memory_space<hbm>>
        %dma_wait3A_111 = arith.constant 0 : i32
        %dma_wait3A_112 = tpu.memref_slice %arg4[%select_n3A, %add3A_107, %dma_wait3A_111] : memref<4x8193x2048xf32, #tpu.memory_space<hbm>> -> memref<1x16x2048xf32, #tpu.memory_space<hbm>>
        %dma_wait3A_113 = tpu.memref_squeeze %dma_wait3A_112 : memref<1x16x2048xf32, #tpu.memory_space<hbm>> -> memref<16x2048xf32, #tpu.memory_space<hbm>>
        tpu.wait_dma2 semaphore(%arg8 : memref<!tpu.dma_semaphore, #tpu.memory_space<semaphore_mem>>) src(%arg6 : memref<16x2048xf32, #tpu.memory_space<vmem>>) dst(%dma_wait3A_113 : memref<16x2048xf32, #tpu.memory_space<hbm>>)
        %sub3A_114 = arith.constant 2 : i32
        %sub3A_115 = arith.subi %add3A_67, %sub3A_114 : i32
        %mul3A_116 = arith.constant 16 : i32
        %mul3A_117 = arith.muli %sub3A_115, %mul3A_116 : i32
        %get3A_118 = arith.index_cast %mul3A_117 : i32 to index
        %get3A_119 = tpu.vector_load %arg5[%get3A_118] {strides = array<i32>} : memref<1040xi32, #tpu.memory_space<vmem>>, vector<16xi32>,
        tpu.vector_store_idx %arg6[%iota3A, %get3A_119], %broadcast_in_dim3A_38 : memref<16x2048xf32, #tpu.memory_space<vmem>>[vector<16xi32>, vector<16xi32>], vector<16xf32>,
      } else {
      }
      %mul3A_72 = arith.constant 16 : i32
      %mul3A_73 = arith.muli %add3A_67, %mul3A_72 : i32
      %get3A = arith.index_cast %mul3A_73 : i32 to index
      %get3A_74 = tpu.vector_load %arg5[%get3A] {strides = array<i32>} : memref<1040xi32, #tpu.memory_space<vmem>>, vector<16xi32>,
      tpu.vector_store_idx %arg6[%iota3A, %get3A_74], %broadcast_in_dim3A_36 : memref<16x2048xf32, #tpu.memory_space<vmem>>[vector<16xi32>, vector<16xi32>], vector<16xf32>,
      %mul3A_75 = arith.constant 16 : i32
      %mul3A_76 = arith.muli %add3A_67, %mul3A_75 : i32
      %add3A_77 = arith.addi %mul3A_32, %mul3A_76 : i32
      %dma_start3A = arith.constant 0 : i32
      %dma_start3A_78 = tpu.memref_slice %arg4[%select_n3A, %add3A_77, %dma_start3A] : memref<4x8193x2048xf32, #tpu.memory_space<hbm>> -> memref<1x16x2048xf32, #tpu.memory_space<hbm>>
      %dma_start3A_79 = tpu.memref_squeeze %dma_start3A_78 : memref<1x16x2048xf32, #tpu.memory_space<hbm>> -> memref<16x2048xf32, #tpu.memory_space<hbm>>
      %dma_start3A_80 = arith.constant 0 : i32
      %dma_start3A_81 = tpu.memref_slice %arg4[%select_n3A, %add3A_77, %dma_start3A_80] : memref<4x8193x2048xf32, #tpu.memory_space<hbm>> -> memref<1x16x2048xf32, #tpu.memory_space<hbm>>
      %dma_start3A_82 = tpu.memref_squeeze %dma_start3A_81 : memref<1x16x2048xf32, #tpu.memory_space<hbm>> -> memref<16x2048xf32, #tpu.memory_space<hbm>>
      tpu.enqueue_dma source(%arg6 : memref<16x2048xf32, #tpu.memory_space<vmem>>) target(%dma_start3A_82 : memref<16x2048xf32, #tpu.memory_space<hbm>>) target_semaphore(%arg8 : memref<!tpu.dma_semaphore, #tpu.memory_space<semaphore_mem>>)
      %add3A_83 = arith.constant 1 : i32
      %add3A_84 = arith.addi %add3A_65, %add3A_83 : i32
      %ge3A_85 = arith.constant 2 : i32
      %ge3A_86 = arith.cmpi sge, %add3A_84, %ge3A_85 : i32
      %convert_element_type3A_87 = arith.extui %ge3A_86 : i1 to i32
      %cond3A_88 = arith.constant 0 : i32
      %cond3A_89 = arith.cmpi ne, %convert_element_type3A_87, %cond3A_88 : i32
      scf.if %cond3A_89 {
        %sub3A_103 = arith.constant 2 : i32
        %sub3A_104 = arith.subi %add3A_84, %sub3A_103 : i32
        %mul3A_105 = arith.constant 16 : i32
        %mul3A_106 = arith.muli %sub3A_104, %mul3A_105 : i32
        %add3A_107 = arith.addi %mul3A_32, %mul3A_106 : i32
        %dma_wait3A_108 = arith.constant 0 : i32
        %dma_wait3A_109 = tpu.memref_slice %arg4[%select_n3A, %add3A_107, %dma_wait3A_108] : memref<4x8193x2048xf32, #tpu.memory_space<hbm>> -> memref<1x16x2048xf32, #tpu.memory_space<hbm>>
        %dma_wait3A_110 = tpu.memref_squeeze %dma_wait3A_109 : memref<1x16x2048xf32, #tpu.memory_space<hbm>> -> memref<16x2048xf32, #tpu.memory_space<hbm>>
        %dma_wait3A_111 = arith.constant 0 : i32
        %dma_wait3A_112 = tpu.memref_slice %arg4[%select_n3A, %add3A_107, %dma_wait3A_111] : memref<4x8193x2048xf32, #tpu.memory_space<hbm>> -> memref<1x16x2048xf32, #tpu.memory_space<hbm>>
        %dma_wait3A_113 = tpu.memref_squeeze %dma_wait3A_112 : memref<1x16x2048xf32, #tpu.memory_space<hbm>> -> memref<16x2048xf32, #tpu.memory_space<hbm>>
        tpu.wait_dma2 semaphore(%arg9 : memref<!tpu.dma_semaphore, #tpu.memory_space<semaphore_mem>>) src(%arg7 : memref<16x2048xf32, #tpu.memory_space<vmem>>) dst(%dma_wait3A_113 : memref<16x2048xf32, #tpu.memory_space<hbm>>)
        %sub3A_114 = arith.constant 2 : i32
        %sub3A_115 = arith.subi %add3A_84, %sub3A_114 : i32
        %mul3A_116 = arith.constant 16 : i32
        %mul3A_117 = arith.muli %sub3A_115, %mul3A_116 : i32
        %get3A_118 = arith.index_cast %mul3A_117 : i32 to index
        %get3A_119 = tpu.vector_load %arg5[%get3A_118] {strides = array<i32>} : memref<1040xi32, #tpu.memory_space<vmem>>, vector<16xi32>,
        tpu.vector_store_idx %arg7[%iota3A, %get3A_119], %broadcast_in_dim3A_38 : memref<16x2048xf32, #tpu.memory_space<vmem>>[vector<16xi32>, vector<16xi32>], vector<16xf32>,
      } else {
      }
      %mul3A_90 = arith.constant 16 : i32
      %mul3A_91 = arith.muli %add3A_84, %mul3A_90 : i32
      %get3A_92 = arith.index_cast %mul3A_91 : i32 to index
      %get3A_93 = tpu.vector_load %arg5[%get3A_92] {strides = array<i32>} : memref<1040xi32, #tpu.memory_space<vmem>>, vector<16xi32>,
      tpu.vector_store_idx %arg7[%iota3A, %get3A_93], %broadcast_in_dim3A_36 : memref<16x2048xf32, #tpu.memory_space<vmem>>[vector<16xi32>, vector<16xi32>], vector<16xf32>,
      %mul3A_94 = arith.constant 16 : i32
      %mul3A_95 = arith.muli %add3A_84, %mul3A_94 : i32
      %add3A_96 = arith.addi %mul3A_32, %mul3A_95 : i32
      %dma_start3A_97 = arith.constant 0 : i32
      %dma_start3A_98 = tpu.memref_slice %arg4[%select_n3A, %add3A_96, %dma_start3A_97] : memref<4x8193x2048xf32, #tpu.memory_space<hbm>> -> memref<1x16x2048xf32, #tpu.memory_space<hbm>>
      %dma_start3A_99 = tpu.memref_squeeze %dma_start3A_98 : memref<1x16x2048xf32, #tpu.memory_space<hbm>> -> memref<16x2048xf32, #tpu.memory_space<hbm>>
      %dma_start3A_100 = arith.constant 0 : i32
      %dma_start3A_101 = tpu.memref_slice %arg4[%select_n3A, %add3A_96, %dma_start3A_100] : memref<4x8193x2048xf32, #tpu.memory_space<hbm>> -> memref<1x16x2048xf32, #tpu.memory_space<hbm>>
      %dma_start3A_102 = tpu.memref_squeeze %dma_start3A_101 : memref<1x16x2048xf32, #tpu.memory_space<hbm>> -> memref<16x2048xf32, #tpu.memory_space<hbm>>
      tpu.enqueue_dma source(%arg7 : memref<16x2048xf32, #tpu.memory_space<vmem>>) target(%dma_start3A_102 : memref<16x2048xf32, #tpu.memory_space<hbm>>) target_semaphore(%arg9 : memref<!tpu.dma_semaphore, #tpu.memory_space<semaphore_mem>>)
    }
    %scan3A_42 = arith.constant 32 : i32
    %add3A_43 = arith.constant 992 : i32
    %add3A_44 = arith.addi %mul3A_32, %add3A_43 : i32
    %dma_wait3A = arith.constant 0 : i32
    %dma_wait3A_45 = tpu.memref_slice %arg4[%select_n3A, %add3A_44, %dma_wait3A] : memref<4x8193x2048xf32, #tpu.memory_space<hbm>> -> memref<1x16x2048xf32, #tpu.memory_space<hbm>>
    %dma_wait3A_46 = tpu.memref_squeeze %dma_wait3A_45 : memref<1x16x2048xf32, #tpu.memory_space<hbm>> -> memref<16x2048xf32, #tpu.memory_space<hbm>>
    %dma_wait3A_47 = arith.constant 0 : i32
    %dma_wait3A_48 = tpu.memref_slice %arg4[%select_n3A, %add3A_44, %dma_wait3A_47] : memref<4x8193x2048xf32, #tpu.memory_space<hbm>> -> memref<1x16x2048xf32, #tpu.memory_space<hbm>>
    %dma_wait3A_49 = tpu.memref_squeeze %dma_wait3A_48 : memref<1x16x2048xf32, #tpu.memory_space<hbm>> -> memref<16x2048xf32, #tpu.memory_space<hbm>>
    tpu.wait_dma2 semaphore(%arg8 : memref<!tpu.dma_semaphore, #tpu.memory_space<semaphore_mem>>) src(%arg6 : memref<16x2048xf32, #tpu.memory_space<vmem>>) dst(%dma_wait3A_49 : memref<16x2048xf32, #tpu.memory_space<hbm>>)
    %add3A_50 = arith.constant 1008 : i32
    %add3A_51 = arith.addi %mul3A_32, %add3A_50 : i32
    %dma_wait3A_52 = arith.constant 0 : i32
    %dma_wait3A_53 = tpu.memref_slice %arg4[%select_n3A, %add3A_51, %dma_wait3A_52] : memref<4x8193x2048xf32, #tpu.memory_space<hbm>> -> memref<1x16x2048xf32, #tpu.memory_space<hbm>>
    %dma_wait3A_54 = tpu.memref_squeeze %dma_wait3A_53 : memref<1x16x2048xf32, #tpu.memory_space<hbm>> -> memref<16x2048xf32, #tpu.memory_space<hbm>>
    %dma_wait3A_55 = arith.constant 0 : i32
    %dma_wait3A_56 = tpu.memref_slice %arg4[%select_n3A, %add3A_51, %dma_wait3A_55] : memref<4x8193x2048xf32, #tpu.memory_space<hbm>> -> memref<1x16x2048xf32, #tpu.memory_space<hbm>>
    %dma_wait3A_57 = tpu.memref_squeeze %dma_wait3A_56 : memref<1x16x2048xf32, #tpu.memory_space<hbm>> -> memref<16x2048xf32, #tpu.memory_space<hbm>>
    tpu.wait_dma2 semaphore(%arg9 : memref<!tpu.dma_semaphore, #tpu.memory_space<semaphore_mem>>) src(%arg7 : memref<16x2048xf32, #tpu.memory_space<vmem>>) dst(%dma_wait3A_57 : memref<16x2048xf32, #tpu.memory_space<hbm>>)
    %eq3A_58 = arith.constant 7 : i32
    %eq3A_59 = arith.cmpi eq, %select_n3A_30, %eq3A_58 : i32
    %convert_element_type3A = arith.extui %eq3A_59 : i1 to i32
    %cond3A = arith.constant 0 : i32
    %cond3A_60 = arith.cmpi ne, %convert_element_type3A, %cond3A : i32
    scf.if %cond3A_60 {
      %get3A = arith.constant 992 : index
      %get3A_61 = tpu.vector_load %arg5[%get3A] {strides = array<i32>} : memref<1040xi32, #tpu.memory_space<vmem>>, vector<16xi32>,
      tpu.vector_store_idx %arg6[%iota3A, %get3A_61], %broadcast_in_dim3A_38 : memref<16x2048xf32, #tpu.memory_space<vmem>>[vector<16xi32>, vector<16xi32>], vector<16xf32>,
      %get3A_62 = arith.constant 1024 : index
      %get3A_63 = tpu.vector_load %arg5[%get3A_62] {strides = array<i32>} : memref<1040xi32, #tpu.memory_space<vmem>>, vector<16xi32>,
      %eq3A_64 = arith.constant 0 : i32
      %eq3A_65 = vector.broadcast %eq3A_64 : i32 to vector<16xi32>
      %eq3A_66 = arith.cmpi eq, %iota3A, %eq3A_65 : vector<16xi32>
      %mul3A_67 = arith.constant 0 : i32
      %mul3A_68 = vector.broadcast %mul3A_67 : i32 to vector<16xi32>
      %mul3A_69 = arith.muli %iota3A, %mul3A_68 : vector<16xi32>
      tpu.vector_store_idx %arg6[%mul3A_69, %get3A_63], %broadcast_in_dim3A_36 masked %eq3A_66 : memref<16x2048xf32, #tpu.memory_space<vmem>>[vector<16xi32>, vector<16xi32>], vector<16xf32>, vector<16xi1>
      %dma_start3A = arith.constant 0 : i32
      %dma_start3A_70 = arith.constant 0 : i32
      %dma_start3A_71 = tpu.memref_slice %arg6[%dma_start3A, %dma_start3A_70] : memref<16x2048xf32, #tpu.memory_space<vmem>> -> memref<1x2048xf32, #tpu.memory_space<vmem>>
      %dma_start3A_72 = arith.constant 8192 : i32
      %dma_start3A_73 = arith.constant 0 : i32
      %dma_start3A_74 = tpu.memref_slice %arg4[%select_n3A, %dma_start3A_72, %dma_start3A_73] : memref<4x8193x2048xf32, #tpu.memory_space<hbm>> -> memref<1x1x2048xf32, #tpu.memory_space<hbm>>
      %dma_start3A_75 = tpu.memref_squeeze %dma_start3A_74 : memref<1x1x2048xf32, #tpu.memory_space<hbm>> -> memref<1x2048xf32, #tpu.memory_space<hbm>>
      %dma_start3A_76 = arith.constant 8192 : i32
      %dma_start3A_77 = arith.constant 0 : i32
      %dma_start3A_78 = tpu.memref_slice %arg4[%select_n3A, %dma_start3A_76, %dma_start3A_77] : memref<4x8193x2048xf32, #tpu.memory_space<hbm>> -> memref<1x1x2048xf32, #tpu.memory_space<hbm>>
      %dma_start3A_79 = tpu.memref_squeeze %dma_start3A_78 : memref<1x1x2048xf32, #tpu.memory_space<hbm>> -> memref<1x2048xf32, #tpu.memory_space<hbm>>
      %dma_start3A_80 = arith.constant 0 : i32
      %dma_start3A_81 = arith.constant 0 : i32
      %dma_start3A_82 = tpu.memref_slice %arg6[%dma_start3A_80, %dma_start3A_81] : memref<16x2048xf32, #tpu.memory_space<vmem>> -> memref<1x2048xf32, #tpu.memory_space<vmem>>
      tpu.enqueue_dma source(%dma_start3A_82 : memref<1x2048xf32, #tpu.memory_space<vmem>>) target(%dma_start3A_79 : memref<1x2048xf32, #tpu.memory_space<hbm>>) target_semaphore(%arg8 : memref<!tpu.dma_semaphore, #tpu.memory_space<semaphore_mem>>)
      %dma_wait3A_83 = arith.constant 0 : i32
      %dma_wait3A_84 = arith.constant 0 : i32
      %dma_wait3A_85 = tpu.memref_slice %arg6[%dma_wait3A_83, %dma_wait3A_84] : memref<16x2048xf32, #tpu.memory_space<vmem>> -> memref<1x2048xf32, #tpu.memory_space<vmem>>
      %dma_wait3A_86 = arith.constant 8192 : i32
      %dma_wait3A_87 = arith.constant 0 : i32
      %dma_wait3A_88 = tpu.memref_slice %arg4[%select_n3A, %dma_wait3A_86, %dma_wait3A_87] : memref<4x8193x2048xf32, #tpu.memory_space<hbm>> -> memref<1x1x2048xf32, #tpu.memory_space<hbm>>
      %dma_wait3A_89 = tpu.memref_squeeze %dma_wait3A_88 : memref<1x1x2048xf32, #tpu.memory_space<hbm>> -> memref<1x2048xf32, #tpu.memory_space<hbm>>
      %dma_wait3A_90 = arith.constant 8192 : i32
      %dma_wait3A_91 = arith.constant 0 : i32
      %dma_wait3A_92 = tpu.memref_slice %arg4[%select_n3A, %dma_wait3A_90, %dma_wait3A_91] : memref<4x8193x2048xf32, #tpu.memory_space<hbm>> -> memref<1x1x2048xf32, #tpu.memory_space<hbm>>
      %dma_wait3A_93 = tpu.memref_squeeze %dma_wait3A_92 : memref<1x1x2048xf32, #tpu.memory_space<hbm>> -> memref<1x2048xf32, #tpu.memory_space<hbm>>
      %dma_wait3A_94 = arith.constant 0 : i32
      %dma_wait3A_95 = arith.constant 0 : i32
      %dma_wait3A_96 = tpu.memref_slice %arg6[%dma_wait3A_94, %dma_wait3A_95] : memref<16x2048xf32, #tpu.memory_space<vmem>> -> memref<1x2048xf32, #tpu.memory_space<vmem>>
      tpu.wait_dma2 semaphore(%arg8 : memref<!tpu.dma_semaphore, #tpu.memory_space<semaphore_mem>>) src(%dma_wait3A_96 : memref<1x2048xf32, #tpu.memory_space<vmem>>) dst(%dma_wait3A_93 : memref<1x2048xf32, #tpu.memory_space<hbm>>)
    } else {
    }
    return
  }
}

</mosaic_0001>

<sc_bundles>
// kernel: kernel.3.cloned.1.call-start
scs
__scs_entry_jumppad:
0x0: {  	(pc) =	sbr.rel $0x88, $3  }
0x1: {  	(tag) =	ssettag $0x0;
	lr =	simm.s32 $0x1  }
0x2: {  	[smem:$0x3FA0] =	sst lr;
	_ =	strace $0xD0000000  }
0x3: {  	_ = 	snop  }
0x4: {  	_ = 	snop  }
0x5: {  	_ = 	snop  }
0x6: {  	_ = 	snop  }
0x7: {  	_ = 	snop  }
__scs_overlays_trampoline_lowered:
0x8: {  	[smem:$0x3FAF] =	sst s0  }
0x9: {  	[smem:$0x3FB0] =	sst s1  }
0xa: {  	[smem:$0x3FB1] =	sst s2  }
0xb: {  	[smem:$0x3FB2] =	sst s3  }
0xc: {  	[smem:$0x3FB3] =	sst s4  }
0xd: {  	[smem:$0x3FB4] =	sst s5  }
0xe: {  	[smem:$0x3FB5] =	sst s6  }
0xf: {  	[smem:$0x3FB6] =	sst s7  }
0x10: {  	[smem:$0x3FB7] =	sst s8  }
0x11: {  	[smem:$0x3FB8] =	sst s9;
	s0 =	simm.s32 @!p0 $0x0  }
0x12: {  	s1 =	sld [smem:$0x3F9E];
	s0 =	simm.s32 @p0 $0x1  }
0x13: {  	[smem:$0x3FB9] =	sst s0;
	s0 =	simm.s32 @!p1 $0x0  }
0x14: {  	s2 =	sld [smem:$0x3F9D];
	s0 =	simm.s32 @p1 $0x1  }
0x15: {  	[smem:$0x3FBA] =	sst s0;
	s0 =	simm.s32 @!p2 $0x0  }
0x16: {  	s3 =	sld [smem:$0x3FDB];
	s0 =	simm.s32 @p2 $0x1  }
0x17: {  	s4 =	simm.s32 $0x1BF5;
	[smem:$0x3FBC] =	sst s0  }
0x18: {  	s0 =	sld [smem:$0x3F9F];
	_ =	swait.ge [sflag:s4], $0x0  }
0x19: {  	s7 =	sld [smem:$0x3FA0]  }
0x1a: {  	s8 =	sadd.s32 $0xFFFFE003, lr  }
0x1b: {  	s9 =	sadd.s32 $0xFFFFFEF7, lr;
	s5 =	simm.s32 $0xFFFFFFFF;
	p2 =	slt.u32 s8, $0xFFFFF086  }
0x1c: {  	p1 =	slt.u32 s9, $0xF7A;
	s5 =	simm.s32 @!p2 $0x0  }
0x1d: {  	s5 =	simm.s32 @p1 $0x1;
	p0 =	seq.s32 s7, s2  }
0x1e: {  	s7 =	smul.u32 @!p0 $0xF7A, s2;
	p2 =	seq.s32 @!p0 s5, $0x0  }
0x1f: {  	s9 =	smul.u32 $0xF7A, s1;
	s8 =	simm.s32 @!p0 $0x1BF5;
	p2 =	por !p2, p0  }
0x20: {  	[sflag:s8] =	ssyncset.s32 @!p0 $0xFFFFF086;
	s6 =	sadd.s32 @!p0 s3, s7;
	s7 =	simm.s32 @!p0 $0x108  }
0x21: {  	s3 =	sadd.s32 s3, s9;
	s6 =	sadd.s32 @!p0 $0x88, s6;
	s7 =	simm.s32 @p2 $0x1082  }
0x22: {  	[simem:s7], [sflag:s8] =	dma.local @!p0 [hbm:s6], $0xF7A  }
0x23: {  	s9 =	sor.u32 $0xD0000000, s2;
	s6 =	simm.s32 $0x108;
	_ =	swait.ge @!p0 [sflag:s8], $0x0  }
0x24: {  	s3 =	sadd.s32 $0x88, s3;
	s6 =	simm.s32 @!p1 $0x1082;
	[sflag:s4] =	ssyncset.s32 $0xFFFFF086  }
0x25: {  	[simem:s6], [sflag:s4] =	dma.local [hbm:s3], $0xF7A  }
0x26: {  	[smem:$0x3FA0] =	sst s1;
	(tag) =	ssettag s2;
	_ =	strace s9  }
0x27: {  	s1 =	sld [smem:$0x3FB0]  }
0x28: {  	s2 =	sld [smem:$0x3FB1]  }
0x29: {  	s4 =	sld [smem:$0x3FB3]  }
0x2a: {  	p0 =	seq.s32 s5, $0x0;
	s5 =	sld [smem:$0x3FB4]  }
0x2b: {  	s6 =	sld [smem:$0x3FB5]  }
0x2c: {  	s7 =	sld [smem:$0x3FB6]  }
0x2d: {  	s3 =	simm.s32 $0x108;
	s8 =	sld [smem:$0x3FB7]  }
0x2e: {  	s3 =	simm.s32 @!p0 $0x1082;
	s9 =	sld [smem:$0x3FB8]  }
0x2f: {  	lr =	sadd.s32 s0, s3;
	s0 =	sld [smem:$0x3FAF]  }
0x30: {  	s3 =	sld [smem:$0x3FB2]  }
0x31: {  	[smem:$0x3FBB] =	sst s10  }
0x32: {  	s10 =	sld [smem:$0x3FB9];
	_ =	sdelay $0x3  }
0x33: {  	p0 =	seq.s32 s10, $0x1;
	s10 =	sld [smem:$0x3FBB];
	_ =	sdelay $0x3  }
0x34: {  	[smem:$0x3FBB] =	sst s10  }
0x35: {  	s10 =	sld [smem:$0x3FBA];
	_ =	sdelay $0x3  }
0x36: {  	p1 =	seq.s32 s10, $0x1;
	s10 =	sld [smem:$0x3FBB];
	_ =	sdelay $0x3  }
0x37: {  	[smem:$0x3FBB] =	sst s10  }
0x38: {  	s10 =	sld [smem:$0x3FBC]  }
0x39: {  	_ = 	snop;
	(pc) =	sbr.ind lr, $3  }
0x3a: {  	_ = 	snop  }
0x3b: {  	_ = 	snop  }
0x3c: {  	p2 =	seq.s32 s10, $0x1;
	s10 =	sld [smem:$0x3FBB]  }
0x3d: {  	_ =	shalt  }
0x3e: {  	_ =	shalt  }
0x3f: {  	_ =	shalt  }
0x40: {  	_ =	shalt  }
0x41: {  	_ =	shalt  }
0x42: {  	_ =	shalt  }
0x43: {  	_ =	shalt  }
0x44: {  	_ =	shalt  }
0x45: {  	_ =	shalt  }
0x46: {  	_ =	shalt  }
0x47: {  	_ =	shalt  }
0x48: {  	_ =	shalt  }
0x49: {  	_ =	shalt  }
0x4a: {  	_ =	shalt  }
0x4b: {  	_ =	shalt  }
0x4c: {  	_ =	shalt  }
0x4d: {  	_ =	shalt  }
0x4e: {  	_ =	shalt  }
0x4f: {  	_ =	shalt  }
0x50: {  	_ =	shalt  }
0x51: {  	_ =	shalt  }
0x52: {  	_ =	shalt  }
0x53: {  	_ =	shalt  }
0x54: {  	_ =	shalt  }
0x55: {  	_ =	shalt  }
0x56: {  	_ =	shalt  }
0x57: {  	_ =	shalt  }
0x58: {  	_ =	shalt  }
0x59: {  	_ =	shalt  }
0x5a: {  	_ =	shalt  }
0x5b: {  	_ =	shalt  }
0x5c: {  	_ =	shalt  }
0x5d: {  	_ =	shalt  }
0x5e: {  	_ =	shalt  }
0x5f: {  	_ =	shalt  }
0x60: {  	_ =	shalt  }
0x61: {  	_ =	shalt  }
0x62: {  	_ =	shalt  }
0x63: {  	_ =	shalt  }
0x64: {  	_ =	shalt  }
0x65: {  	_ =	shalt  }
0x66: {  	_ =	shalt  }
0x67: {  	_ =	shalt  }
0x68: {  	_ =	shalt  }
0x69: {  	_ =	shalt  }
0x6a: {  	_ =	shalt  }
0x6b: {  	_ =	shalt  }
0x6c: {  	_ =	shalt  }
0x6d: {  	_ =	shalt  }
0x6e: {  	_ =	shalt  }
0x6f: {  	_ =	shalt  }
0x70: {  	_ =	shalt  }
0x71: {  	_ =	shalt  }
0x72: {  	_ =	shalt  }
0x73: {  	_ =	shalt  }
0x74: {  	_ =	shalt  }
0x75: {  	_ =	shalt  }
0x76: {  	_ =	shalt  }
0x77: {  	_ =	shalt  }
0x78: {  	_ =	shalt  }
0x79: {  	_ =	shalt  }
0x7a: {  	_ =	shalt  }
0x7b: {  	_ =	shalt  }
0x7c: {  	_ =	shalt  }
0x7d: {  	_ =	shalt  }
0x7e: {  	_ =	shalt  }
0x7f: {  	_ =	shalt  }
0x80: {  	_ =	shalt  }
0x81: {  	_ =	shalt  }
0x82: {  	_ =	shalt  }
0x83: {  	_ =	shalt  }
0x84: {  	_ =	shalt  }
0x85: {  	_ =	shalt  }
0x86: {  	_ =	shalt  }
0x87: {  	_ =	shalt  }
.Lfunc_end0:
.L_simem_size_0:
called_computation_lowered:
.L_overlay_start_0:
0x88: {  	s2 =	sld [smem:$0x3FD9]  }
0x89: {  	s3 =	sld [smem:$0x3FFE];
	_ =	sdelay $0x1  }
0x8a: {  	s1 =	srdreg.scid  }
0x8b: {  	s0 =	sand.u32 $0x1, s1  }
0x8c: {  	s17 =	sshll.u32 s0, $0xA;
	s2 =	sadd.s32 s3, s2  }
0x8d: {  	s2 =	sadd.s32 s2, s17  }
0x8e: {  	[smem:$0x3FC7] =	sst s2  }
0x8f: {  	_ = 	snop  }
0x90: {  	s2 =	sld [smem:$0x3FD0];
	(tm) =	ssettm $0x1  }
0x91: {  	s18 =	sld [smem:$0x3FFB];
	_ =	sdelay $0x3  }
0x92: {  	_ =	strace s18  }
0x93: {  	s3 =	sld [smem:$0x3FFC];
	_ =	sdelay $0x3  }
0x94: {  	_ =	strace s3  }
0x95: {  	s3 =	sld [smem:$0x3FFD];
	_ =	sdelay $0x3  }
0x96: {  	_ =	strace s3  }
0x97: {  	_ =	strace $0x8FFFFFFF  }
0x98: {  	s19 =	sld [smem:$0x3FDB];
	_ =	sdelay $0x1  }
0x99: {  	s4 =	simm.s32 $_scs_section_size  }
0x9a: {  	s5 =	simm.s32 $_size__tile_overlayer_lowered;
	s6 =	simm.s32 $_tile_overlayer_lowered  }
0x9b: {  	s22 =	simm.s32 $0x1BFF;
	s21 =	sshll.u32 s6, $0x1;
	s3 =	sadd.s32 s4, s19  }
0x9c: {  	s7 =	simm.s32 $0x0;
	s20 =	sshll.u32 s5, $0x1;
	s5 =	sadd.s32 s21, s3  }
0x9d: {  	[timem:s7], [sflag:s22] =	dma.local [hbm:s5], s20  }
0x9e: {  	_ =	swait.ge [sflag:s22], s20  }
0x9f: {  	s4 =	ssub.s32 $0x0, s20;
	[sflag:s22] =	ssyncset.done $0x0  }
0xa0: {  	[sflag:s22] =	ssyncadd.s32 s4;
	_ =	sdelay $0x1  }
0xa1: {  	s23 =	simm.s32 $0x1B8B  }
0xa2: {  	_ =	swait.ge [sflag:s23], $0x1  }
0xa3: {  	[sflag:s23] =	ssyncset.done $0x0  }
0xa4: {  	s25 =	simm.s32 $0x1B8E;
	s24 =	sld [smem:$0x3FFE];
	[sflag:s23] =	ssyncadd.s32 $0xFFFFFFFF  }
0xa5: {  	s26 =	simm.s32 $execute0_lowered;
	[smem:$0x3FD2] =	sst s25  }
0xa6: {  	s5 =	sshll.u32 s26, $0x1;
	_ =	strace $0x80000046;
	[dreg:$0x1] =	wrdreg $0xFFFFFFFF  }
0xa7: {  	s28 =	simm.s32 $_size_execute0_lowered;
	s3 =	sadd.s32 s3, s5;
	[dreg:$0x0] =	wrdreg $0x0  }
0xa8: {  	s5 =	sshll.u32 s28, $0x1;
	[dreg:$0x2] =	wrdreg s3  }
0xa9: {  	[dreg:$0x3] =	wrdreg s5  }
0xaa: {  	[dreg:$0x4] =	wrdreg $0xC0  }
0xab: {  	_ =	task [dreg:s7], $0x5FFFF  }
0xac: {  	[dreg:$0x1] =	wrdreg $0xFFFFFFFF  }
0xad: {  	[dreg:$0x0] =	wrdreg $0x60  }
0xae: {  	[dreg:$0x2] =	wrdreg s2  }
0xaf: {  	[dreg:$0x3] =	wrdreg s24  }
0xb0: {  	[dreg:$0x4] =	wrdreg $0x9  }
0xb1: {  	_ =	task.clear_ibuf [dreg:s7], $0x5FFFF;
	_ =	strace $0x90000046  }
0xb2: {  	s29 =	simm.s32 $0x9;
	_ =	strace $0x80000048  }
0xb3: {  	_ =	swait.ge [sflag:s29], $0x1  }
0xb4: {  	[sflag:s29] =	ssyncadd.s32 $0xFFFFFFFF  }
0xb5: {  	_ =	strace $0x90000048  }
0xb6: {  	_ =	sfence  }
0xb7: {  	s30 =	sld [smem:$0x0];
	_ =	sdelay $0x2  }
0xb8: {  	s31 =	sshll.u32 s1, $0xD;
	s1 =	sshrl.u32 s1, $0x2  }
0xb9: {  	s3 =	sand.u32 $0x4000, s31;
	s1 =	sadd.s32 s1, s30  }
0xba: {  	s0 =	sor.u32 s3, s0;
	s1 =	sshll.u32 s1, $0x11  }
0xbb: {  	s0 =	sor.u32 s1, s0  }
0xbc: {  	s0 =	sadd.s32 $0x8F2B, s0  }
0xbd: {  	[sflag:s0] =	ssyncadd.remote.s32 $0x1  }
0xbe: {  	_ =	sfence.sel $0xFFFF  }
0xbf: {  	[dreg:$0x0] =	wrdreg $0xFFFFFFFF;
	(pc) =	sbr.abs _section_cstart, $3  }
0xc0: {  	[dreg:$0x1] =	wrdreg $0xFFFFFFFF  }
0xc1: {  	_ =	task.clear_ibuf [dreg:s7], $0x2FFFF;
	_ =	strace $0x9FFFFFFF  }
0xc2: {  	(tm) =	ssettm $0x7FFFFFFF  }
0xc3: {  	_ =	shalt  }
tec
execute0_lowered:
.L_overlay_start_1:
0x0: {  	(tag) =	ssettag $0x1  }
0x1: {  	s0 =	rddreg [dreg:$0x0]  }
0x2: {  	s1 =	rddreg [dreg:$0x1]  }
0x3: {  	s2 =	simm.s32 $0x0;
	s11 =	stileid.u32;
	s3 =	srdreg.scid  }
0x4: {  	s12 =	simm.s32 $0x3;
	s13 =	simm.s32 $0x480;
	s14 =	simm.s32 $0x8480  }
0x5: {  	s15 =	simm.s32 $0x1;
	s16 =	simm.s32 $0x2;
	s28 =	simm.s32 $0x2C80  }
0x6: {  	s29 =	simm.s32 $0x3080;
	s30 =	simm.s32 $0x3480;
	s31 =	simm.s32 $0x3880  }
0x7: {  	v0 =	vimm.s32 $0x4380;
	vm0 =	vcmask $0x300;
	s18 =	simm.s32 $0x0;
	[smem:$0x7FF] =	sst s2;
	s4 =	sshll.u32 s11, $0x1  }
0x8: {  	vm14 =	vcmask $0x704;
	s5 =	sshrl.u32 s11, $0x2;
	s8 =	sand.u32 $0x1, s3;
	s3 =	sadd.s32 $0x400, s1;
	v0 =	vsel vm0, $0x0, v0  }
0x9: {  	vm15 =	vcmask $0xB08;
	s22 =	sand.u32 $0x3, s11;
	_ =	strace $0x80000047;
	s6 =	smul.u32 $0x2008, s5;
	v0 =	vsel vm14, $0x80, v0  }
0xa: {  	vm4 =	vcmask $0xF0C;
	s4 =	sand.u32 $0x6, s4;
	s9 =	smul.u32 $0x1004000, s5;
	s19 =	ssub.s32 $0x2, s8;
	v0 =	vsel vm15, $0x100, v0  }
0xb: {  	vm5 =	vcmask $0x1310;
	s10 =	sor.u32 s8, s4;
	s4 =	sadd.s32 $0x1400, s1;
	s7 =	sshrl.u32 s19, $0x1;
	v0 =	vsel vm4, $0x180, v0  }
0xc: {  	vm6 =	vcmask $0x1714;
	s8 =	sshll.u32 s8, $0x15;
	s20 =	sshll.u32 s10, $0xA;
	s21 =	sshrl.u32 s9, $0x3;
	v0 =	vsel vm5, $0x200, v0  }
0xd: {  	vm7 =	vcmask $0x1B18;
	s1 =	ssub.s32 s19, s7;
	s23 =	sshll.u32 s10, $0x15;
	p0 =	sne.s32 s10, $0x7;
	v0 =	vsel vm6, $0x280, v0  }
0xe: {  	vm8 =	vcmask $0x1F1C;
	s5 =	sadd.s32 s6, s20;
	s6 =	sadd.s32 s4, s21;
	s7 =	smax.u32 s1, $0x1;
	v0 =	vsel vm7, $0x300, v0  }
0xf: {  	vm9 =	vcmask $0x2320;
	s1 =	sadd.s32 s9, s23;
	s23 =	simm.s32 $0x1C80;
	s5 =	sshrl.u32 s5, $0x3;
	v0 =	vsel vm8, $0x380, v0  }
0x10: {  	vm10 =	vcmask $0x2724;
	s6 =	sadd.s32 $0x200000, s6;
	s24 =	sshrl.u32 s1, $0x3;
	s1 =	sadd.s32 $0x8000, s1;
	v0 =	vsel vm9, $0x4000, v0  }
0x11: {  	vm11 =	vcmask $0x2B28;
	s5 =	sadd.s32 s0, s5;
	s0 =	sshll.u32 s22, $0x16;
	s1 =	sshrl.u32 s1, $0x3;
	v0 =	vsel vm10, $0x4080, v0  }
.Ltmp0:
0x12: {  	vm12 =	vcmask $0x2F2C;
	s17 =	sadd.s32 $0x80, s6;
	s0 =	sadd.s32 s0, s9;
	v0 =	vsel vm11, $0x4100, v0;
	(pc) =	sbr.rel .LBB2_1-.Ltmp0, $4  }
0x13: {  	vm13 =	vcmask $0x3330;
	s9 =	sadd.s32 s4, s1;
	s1 =	simm.s32 $0x4080;
	s0 =	sadd.s32 s8, s0;
	v0 =	vsel vm12, $0x4180, v0  }
0x14: {  	vm14 =	vcmask $0x3734;
	s8 =	sadd.s32 s4, s24;
	s24 =	simm.s32 $0x2080;
	s25 =	sadd.s32 $0x18000, s0;
	v0 =	vsel vm13, $0x4200, v0  }
0x15: {  	vm15 =	vcmask $0x3B38;
	s20 =	sadd.s32 $0x10000, s0;
	s0 =	simm.s32 $0x3C80;
	s26 =	sshrl.u32 s25, $0x3;
	v0 =	vsel vm14, $0x4280, v0  }
0x16: {  	v1 =	vimm.f32 $1.000000000e+00;
	v2 =	vimm.f32 $0.0e+00;
	s25 =	simm.s32 $0x2480;
	s11 =	sadd.s32 s26, s4;
	s26 =	simm.s32 $0x2880;
	v0 =	vsel vm15, $0x4300, v0  }
.LBB2_5:
0x17: {  	s18 =	sadd.s32 $0x1, s18  }
0x18: {  	p1 =	sne.s32 s18, s7  }
.Ltmp1:
0x19: {  	_ = 	snop;
	(pc) =	sbr.rel @!p1 .LBB2_6-.Ltmp1, $1  }
0x1a: {  	_ =	sdelay $0x3  }
.LBB2_1:
0x1b: {  	[tilespmem:s2], [sflag:$0x3] =	stream.linear.gather [hbm4b:s5+s2], $0x408, $0x38;
	[tilespmem:$0x10480] =	vst v63  }
0x1c: {  	_ =	swait.ge [sflag:s12], $0x408  }
0x1d: {  	[sflag:s12] =	ssyncset.done $0x0  }
0x1e: {  	[sflag:s12] =	ssyncadd.s32 $0xFFFFFBF8  }
0x1f: {  	[tilespmem:s13], [sflag:$0x3] =	stream.linear.gather [hbm4b:s3+s2], $0x8000, $0x38;
	[tilespmem:$0x10480] =	vst v63  }
0x20: {  	_ =	swait.ge [sflag:s12], $0x8000  }
0x21: {  	[sflag:s12] =	ssyncset.done $0x0  }
0x22: {  	[sflag:s12] =	ssyncadd.s32 $0xFFFF8000  }
0x23: {  	[tilespmem:s14], [sflag:$0x3] =	stream.linear.gather [hbm4b:s3+s2], $0x8000, $0x38;
	[tilespmem:$0x10480] =	vst v63  }
0x24: {  	_ =	swait.ge [sflag:s12], $0x8000  }
0x25: {  	[sflag:s12] =	ssyncset.done $0x0  }
0x26: {  	[sflag:s12] =	ssyncadd.s32 $0xFFFF8000  }
0x27: {  	v3 =	vld [tilespmem:$0x0];
	_ =	sdelay $0x4  }
0x28: {  	v4 =	vshll.u32 v3, $0x3  }
0x29: {  	v3 =	vand.u32 $0x7F, v3;
	v4 =	vand.u32 $0xFFFFFC00, v4  }
0x2a: {  	v3 =	vor.u32 v3, v4  }
0x2b: {  	v3 =	vadd.s32 v0, v3;
	_ =	sdelay $0x4  }
0x2c: {  	[tilespmem:v3+s13+$0x0] =	vst.idx.msk $0xffff, v1  }
0x2d: {  	[hbm4b:s8+s2] =	stream.linear.scatter [tilespmem:s13], [sflag:$0x1], $0x8000, $0x38;
	[tilespmem:$0x10480] =	vst v63  }
0x2e: {  	v3 =	vld [tilespmem:$0x10];
	_ =	sdelay $0x4  }
0x2f: {  	v63 =	vshll.u32 v3, $0x3  }
0x30: {  	v3 =	vand.u32 $0x7F, v3;
	v4 =	vand.u32 $0xFFFFFC00, v63  }
0x31: {  	v3 =	vor.u32 v3, v4  }
0x32: {  	v3 =	vadd.s32 v0, v3;
	_ =	sdelay $0x4  }
0x33: {  	s19 =	simm.s32 $0x20;
	s10 =	smov.u32 s20;
	s21 =	simm.s32 $0x0;
	[tilespmem:v3+s14+$0x0] =	vst.idx.msk $0xffff, v1  }
0x34: {  	[hbm4b:s9+s2] =	stream.linear.scatter [tilespmem:s14], [sflag:$0x2], $0x8000, $0x38;
	[tilespmem:$0x10480] =	vst v63  }
.LBB2_2:
0x35: {  	_ =	swait.ge [sflag:s15], $0x8000  }
0x36: {  	[sflag:s15] =	ssyncset.done $0x0  }
0x37: {  	[sflag:s15] =	ssyncadd.s32 $0xFFFF8000  }
0x38: {  	v3 =	vld [tilespmem:s19+$0xFFFFFFE0];
	_ =	sdelay $0x4  }
0x39: {  	v4 =	vshll.u32 v3, $0x3  }
0x3a: {  	v3 =	vand.u32 $0x7F, v3;
	v4 =	vand.u32 $0xFFFFFC00, v4  }
0x3b: {  	v3 =	vor.u32 v3, v4  }
0x3c: {  	v3 =	vadd.s32 v0, v3;
	_ =	sdelay $0x4  }
0x3d: {  	[tilespmem:v3+s13+$0x0] =	vst.idx.msk $0xffff, v2  }
0x3e: {  	v3 =	vld [tilespmem:s19+$0x0];
	_ =	sdelay $0x4  }
0x3f: {  	v61 =	vshll.u32 v3, $0x3  }
0x40: {  	v3 =	vand.u32 $0x7F, v3;
	v4 =	vand.u32 $0xFFFFFC00, v61  }
0x41: {  	v3 =	vor.u32 v3, v4  }
0x42: {  	v3 =	vadd.s32 v0, v3;
	_ =	sdelay $0x3  }
0x43: {  	s22 =	sshrl.u32 s10, $0x3  }
0x44: {  	s22 =	sadd.s32 s4, s22;
	[tilespmem:v3+s13+$0x0] =	vst.idx.msk $0xffff, v1  }
0x45: {  	[hbm4b:s22+s2] =	stream.linear.scatter [tilespmem:s13], [sflag:$0x1], $0x8000, $0x38;
	[tilespmem:$0x10480] =	vst v63  }
0x46: {  	_ =	swait.ge [sflag:s16], $0x8000  }
0x47: {  	[sflag:s16] =	ssyncset.done $0x0  }
0x48: {  	[sflag:s16] =	ssyncadd.s32 $0xFFFF8000  }
0x49: {  	v3 =	vld [tilespmem:s19+$0xFFFFFFF0];
	_ =	sdelay $0x4  }
0x4a: {  	v62 =	vshll.u32 v3, $0x3  }
0x4b: {  	v3 =	vand.u32 $0x7F, v3;
	v4 =	vand.u32 $0xFFFFFC00, v62  }
0x4c: {  	v3 =	vor.u32 v3, v4  }
0x4d: {  	v3 =	vadd.s32 v0, v3;
	_ =	sdelay $0x4  }
0x4e: {  	[tilespmem:v3+s14+$0x0] =	vst.idx.msk $0xffff, v2  }
0x4f: {  	v3 =	vld [tilespmem:s19+$0x10];
	_ =	sdelay $0x4  }
0x50: {  	v63 =	vshll.u32 v3, $0x3  }
0x51: {  	v3 =	vand.u32 $0x7F, v3;
	v4 =	vand.u32 $0xFFFFFC00, v63  }
0x52: {  	v3 =	vor.u32 v3, v4  }
0x53: {  	v3 =	vadd.s32 v0, v3  }
0x54: {  	p1 =	sne.s32 s21, $0x3C000  }
.Ltmp2:
0x55: {  	_ = 	snop;
	(pc) =	sbr.rel @p1 .LBB2_2-.Ltmp2, $4  }
0x56: {  	_ = 	snop  }
0x57: {  	s10 =	sadd.s32 $0x10000, s10  }
0x58: {  	s22 =	sadd.s32 s21, s11;
	s21 =	sadd.s32 $0x2000, s21;
	s19 =	sadd.s32 $0x20, s19;
	[tilespmem:v3+s14+$0x0] =	vst.idx.msk $0xffff, v1  }
0x59: {  	[hbm4b:s22+s2] =	stream.linear.scatter [tilespmem:s14], [sflag:$0x2], $0x8000, $0x38;
	[tilespmem:$0x10480] =	vst v63  }
0x5a: {  	_ =	swait.ge [sflag:s15], $0x8000  }
.Ltmp3:
0x5b: {  	[sflag:s15] =	ssyncset.done $0x0;
	(pc) =	sbr.rel @p0 .LBB2_5-.Ltmp3, $4  }
0x5c: {  	[sflag:s15] =	ssyncadd.s32 $0xFFFF8000  }
0x5d: {  	_ =	swait.ge [sflag:s16], $0x8000  }
0x5e: {  	[sflag:s16] =	ssyncset.done $0x0  }
0x5f: {  	[sflag:s16] =	ssyncadd.s32 $0xFFFF8000  }
0x60: {  	v3 =	vld [tilespmem:$0x3E0];
	_ =	sdelay $0x4  }
0x61: {  	v4 =	vshll.u32 v3, $0x3  }
0x62: {  	v3 =	vand.u32 $0x7F, v3;
	v4 =	vand.u32 $0xFFFFFC00, v4  }
0x63: {  	v3 =	vor.u32 v3, v4  }
0x64: {  	v3 =	vadd.s32 v0, v3;
	_ =	sdelay $0x4  }
0x65: {  	[tilespmem:v3+s13+$0x0] =	vst.idx.msk $0xffff, v2  }
0x66: {  	v3 =	vld [tilespmem:$0x400];
	_ =	sdelay $0x4  }
0x67: {  	v63 =	vshll.u32 v3, $0x3  }
0x68: {  	v3 =	vand.u32 $0x7F, v3;
	v4 =	vand.u32 $0xFFFFFC00, v63  }
0x69: {  	v3 =	vor.u32 v3, v4;
	_ =	sdelay $0x4  }
0x6a: {  	[tilespmem:v3+s13+$0x0] =	vst.idx.msk $0x1, v1  }
0x6b: {  	[hbm4b:s6+s2] =	stream.linear.scatter [tilespmem:s13], [sflag:$0x1], $0x80, $0x38;
	[tilespmem:$0x10480] =	vst v63  }
0x6c: {  	s10 =	simm.s32 $0x880  }
0x6d: {  	[hbm4b:s17+s2] =	stream.linear.scatter [tilespmem:s10], [sflag:$0x1], $0x80, $0x38;
	[tilespmem:$0x10480] =	vst v63  }
0x6e: {  	s22 =	sadd.s32 $0x100, s6;
	s19 =	simm.s32 $0xC80  }
0x6f: {  	[hbm4b:s22+s2] =	stream.linear.scatter [tilespmem:s19], [sflag:$0x1], $0x80, $0x38;
	[tilespmem:$0x10480] =	vst v63  }
0x70: {  	s21 =	sadd.s32 $0x180, s6;
	s22 =	simm.s32 $0x1080  }
0x71: {  	[hbm4b:s21+s2] =	stream.linear.scatter [tilespmem:s22], [sflag:$0x1], $0x80, $0x38;
	[tilespmem:$0x10480] =	vst v63  }
0x72: {  	s21 =	sadd.s32 $0x200, s6;
	s22 =	simm.s32 $0x1480  }
0x73: {  	[hbm4b:s21+s2] =	stream.linear.scatter [tilespmem:s22], [sflag:$0x1], $0x80, $0x38;
	[tilespmem:$0x10480] =	vst v63  }
0x74: {  	s19 =	sadd.s32 $0x280, s6;
	s21 =	simm.s32 $0x1880  }
0x75: {  	[hbm4b:s19+s2] =	stream.linear.scatter [tilespmem:s21], [sflag:$0x1], $0x80, $0x38;
	[tilespmem:$0x10480] =	vst v63  }
0x76: {  	s22 =	sadd.s32 $0x300, s6  }
0x77: {  	[hbm4b:s22+s2] =	stream.linear.scatter [tilespmem:s23], [sflag:$0x1], $0x80, $0x38;
	[tilespmem:$0x10480] =	vst v63  }
0x78: {  	s19 =	sadd.s32 $0x380, s6  }
0x79: {  	[hbm4b:s19+s2] =	stream.linear.scatter [tilespmem:s24], [sflag:$0x1], $0x80, $0x38;
	[tilespmem:$0x10480] =	vst v63  }
0x7a: {  	s21 =	sadd.s32 $0x400, s6  }
0x7b: {  	[hbm4b:s21+s2] =	stream.linear.scatter [tilespmem:s25], [sflag:$0x1], $0x80, $0x38;
	[tilespmem:$0x10480] =	vst v63  }
0x7c: {  	s22 =	sadd.s32 $0x480, s6  }
0x7d: {  	[hbm4b:s22+s2] =	stream.linear.scatter [tilespmem:s26], [sflag:$0x1], $0x80, $0x38;
	[tilespmem:$0x10480] =	vst v63  }
0x7e: {  	s19 =	sadd.s32 $0x500, s6  }
0x7f: {  	[hbm4b:s19+s2] =	stream.linear.scatter [tilespmem:s28], [sflag:$0x1], $0x80, $0x38;
	[tilespmem:$0x10480] =	vst v63  }
0x80: {  	s21 =	sadd.s32 $0x580, s6  }
0x81: {  	[hbm4b:s21+s2] =	stream.linear.scatter [tilespmem:s29], [sflag:$0x1], $0x80, $0x38;
	[tilespmem:$0x10480] =	vst v63  }
0x82: {  	s22 =	sadd.s32 $0x600, s6  }
0x83: {  	[hbm4b:s22+s2] =	stream.linear.scatter [tilespmem:s30], [sflag:$0x1], $0x80, $0x38;
	[tilespmem:$0x10480] =	vst v63  }
0x84: {  	s19 =	sadd.s32 $0x680, s6  }
0x85: {  	[hbm4b:s19+s2] =	stream.linear.scatter [tilespmem:s31], [sflag:$0x1], $0x80, $0x38;
	[tilespmem:$0x10480] =	vst v63  }
0x86: {  	s21 =	sadd.s32 $0x700, s6  }
0x87: {  	[hbm4b:s21+s2] =	stream.linear.scatter [tilespmem:s0], [sflag:$0x1], $0x80, $0x38;
	[tilespmem:$0x10480] =	vst v63  }
.Ltmp4:
0x88: {  	s22 =	sadd.s32 $0x780, s6;
	(pc) =	sbr.rel .LBB2_5-.Ltmp4, $4  }
0x89: {  	[hbm4b:s22+s2] =	stream.linear.scatter [tilespmem:s1], [sflag:$0x1], $0x80, $0x38;
	[tilespmem:$0x10480] =	vst v63  }
0x8a: {  	_ =	swait.ge [sflag:s15], $0x800  }
0x8b: {  	[sflag:s15] =	ssyncset.done $0x0  }
0x8c: {  	[sflag:s15] =	ssyncadd.s32 $0xFFFFF800  }
.LBB2_6:
0x8d: {  	_ =	sfence.sel $0x180000  }
0x8e: {  	[bflag:$0x0] =	sbarrier.arrive $0xFFFF  }
0x8f: {  	_ =	strace $0x90000047  }
0x90: {  	s0 =	stileid.u32;
	[bflag:$0x2] =	sbarrier.arrive $0xFFFF  }
0x91: {  	p0 =	sne.s32 s0, $0x0;
	s0 =	rddreg [dreg:$0x2]  }
0x92: {  	s0 =	sadd.s32 @!p0 $0x100000, s0  }
0x93: {  	[sflag:s0] =	ssyncadd.tile.s32 @!p0 $0x1;
	_ =	shalt  }
.Lfunc_end2:
_tile_overlayer_lowered:
.L_overlay_start_2:
0x94: {  	(tag) =	ssettag $0x2  }
0x95: {  	s0 =	rddreg [dreg:$0x0];
	s2 =	stileid.u32  }
0x96: {  	s1 =	rddreg [dreg:$0x1];
	p0 =	sne.s32 s2, $0x0  }
0x97: {  	s3 =	rddreg [dreg:$0x2];
	[bflag:$0x3] =	sbarrier.arrive $0xFFFF;
	s2 =	simm.s32 @!p0 $0x1C03  }
0x98: {  	[timem:s3], [sflag:s2] =	dma.local @!p0 [hbm:s0], s1  }
0x99: {  	s0 =	simm.s32 @!p0 $0x3  }
0x9a: {  	_ =	swait.ge @!p0 [sflag:s0], s1  }
0x9b: {  	s1 =	ssub.s32 @!p0 $0x0, s1;
	[sflag:s0] =	ssyncset.done @!p0 $0x0  }
0x9c: {  	[sflag:s0] =	ssyncadd.s32 @!p0 s1  }
0x9d: {  	[bflag:$0x3] =	sbarrier.arrive $0xFFFF  }
0x9e: {  	_ =	shalt  }

</sc_bundles>
